<compile_context>
chip_gen: v7x
topology: tpu7x:2x2x1
jax: 0.10.2.dev20260603
libtpu: 0.0.44.dev20260713+nightly
codegen_flags: <defaults>
</compile_context>

<pallas_src>
import functools

import jax
import jax.numpy as jnp
from jax import lax
from jax.experimental import pallas as pl
from jax.experimental.pallas import tpu as pltpu
from jax.experimental.pallas import tpu_sc as plsc

_NUM_EXPERT = 8
_IN = 1024
_OUT = 1024
_TOKENS = 2048
_BT = 512
_NB = _TOKENS // _BT
_NW = _NB + _NUM_EXPERT - 1



def _sc_permute(src, idx, scatter):
    rows, feat = src.shape
    mesh = plsc.VectorSubcoreMesh(core_axis_name="c", subcore_axis_name="s")
    nworker = mesh.num_cores * mesh.num_subcores
    per_w = rows // nworker

    @functools.partial(
        pl.kernel,
        mesh=mesh,
        out_type=jax.ShapeDtypeStruct((rows, feat), src.dtype),
        scratch_types=[
            pltpu.VMEM((per_w,), jnp.int32),
            pltpu.VMEM((per_w, feat), src.dtype),
            pltpu.SemaphoreType.DMA,
        ],
    )
    def k(src_hbm, idx_hbm, out_hbm, idx_v, rows_v, sem):
        wid = lax.axis_index("s") * mesh.num_cores + lax.axis_index("c")
        base = wid * per_w
        pltpu.sync_copy(idx_hbm.at[pl.ds(base, per_w)], idx_v)
        if scatter:
            pltpu.sync_copy(src_hbm.at[pl.ds(base, per_w)], rows_v)
            pltpu.async_copy(rows_v, out_hbm.at[idx_v], sem).wait()
        else:
            pltpu.async_copy(src_hbm.at[idx_v], rows_v, sem).wait()
            pltpu.sync_copy(rows_v, out_hbm.at[pl.ds(base, per_w)])

    return k(src, idx)



def _mm_body(meta_ref, x_ref, w_ref, o_ref):
    w = pl.program_id(0)
    first = meta_ref[2, w]
    lo = meta_ref[3, w]
    hi = meta_ref[4, w]
    rows = meta_ref[0, w] * _BT + lax.broadcasted_iota(
        jnp.int32, (_BT, 1), 0)
    mask = (rows >= lo) & (rows < hi)
    xm = jnp.where(mask, x_ref[...], 0.0)
    part = lax.dot_general(
        xm, w_ref[0],
        dimension_numbers=(((1,), (1,)), ((), ())),
        preferred_element_type=jnp.float32,
    )

    @pl.when(first == 1)
    def _():
        o_ref[...] = part

    @pl.when(first == 0)
    def _():
        o_ref[...] += part


def _grouped_matmul(x_sorted, weight, meta):
    grid_spec = pltpu.PrefetchScalarGridSpec(
        num_scalar_prefetch=1,
        grid=(_NW,),
        in_specs=[
            pl.BlockSpec((_BT, _IN), lambda w, m: (m[0, w], 0)),
            pl.BlockSpec((1, _OUT, _IN), lambda w, m: (m[1, w], 0, 0)),
        ],
        out_specs=pl.BlockSpec((_BT, _OUT), lambda w, m: (m[0, w], 0)),
    )
    return pl.pallas_call(
        _mm_body,
        grid_spec=grid_spec,
        out_shape=jax.ShapeDtypeStruct((_TOKENS, _OUT), jnp.float32),
        compiler_params=pltpu.CompilerParams(
            dimension_semantics=("arbitrary",),
        ),
    )(meta, x_sorted, weight)



def _routing(gate):
    g = gate.astype(jnp.int32)
    t = g.shape[0]
    eids = jnp.arange(_NUM_EXPERT, dtype=jnp.int32)
    oh3 = (g.reshape(128, t // 128, 1) == eids).astype(jnp.int32)
    c1 = jnp.cumsum(oh3, axis=1)
    row_tot = c1[:, -1, :]
    c2 = jnp.cumsum(row_tot, axis=0)
    excl = (c1 - oh3) + (c2 - row_tot)[:, None, :]
    pos = jnp.sum(oh3 * excl, axis=2).reshape(t)
    counts = c2[-1]
    off_end = jnp.cumsum(counts)
    off = off_end - counts
    seg = jnp.sum(oh3 * off[None, None, :], axis=2).reshape(t)
    dest = (pos + seg).astype(jnp.int32)
    blk_lo = jnp.arange(_NB, dtype=jnp.int32) * _BT
    e_lo = jnp.sum((off[None, :] <= blk_lo[:, None]).astype(jnp.int32),
                   axis=1) - 1
    e_hi = jnp.sum((off[None, :] <= blk_lo[:, None] + (_BT - 1)
                    ).astype(jnp.int32), axis=1) - 1
    nitem = e_hi - e_lo + 1
    starts = jnp.cumsum(nitem) - nitem
    total = jnp.sum(nitem)
    warr = jnp.arange(_NW, dtype=jnp.int32)
    b_of = jnp.sum((warr[:, None] >= starts[None, :]).astype(jnp.int32),
                   axis=1) - 1
    e_w = e_lo[b_of] + warr - starts[b_of]
    valid = warr < total
    e_load = jnp.clip(e_w, 0, _NUM_EXPERT - 1)
    firsts = (warr == starts[b_of]).astype(jnp.int32)
    seg_lo = jnp.where(valid, off[e_load], 0)
    seg_hi = jnp.where(valid, off_end[e_load], 0)
    meta = jnp.stack([b_of, e_load, firsts, seg_lo, seg_hi]
                     ).astype(jnp.int32)
    return dest, meta


def kernel(inp, gate, weight):
    dest, meta = _routing(gate)
    x_sorted = _sc_permute(inp, dest, scatter=True)
    y_sorted = _grouped_matmul(x_sorted, weight, meta)
    return _sc_permute(y_sorted, dest, scatter=False)

# --- scband reference (transcript-rebuilt; emitter-appended) ---
"""Pipeline reference for scband-moelayer-raw-3521873183219 (READ-ONLY COPY).

The authoritative reference and input builder live on the scoring server;
editing this copy changes nothing except your own understanding.
"""

import jax, jax.numpy as jnp
import numpy as np

NUM_EXPERT = 8
IN_FEAT = 1024
OUT_FEAT = 1024
TOKENS = 2048


def setup_inputs(seed: int = 0) -> dict:
    key = jax.random.key(seed)
    k1, k2, k3 = jax.random.split(key, 3)
    inp = jax.random.normal(k1, (TOKENS, IN_FEAT), dtype=jnp.float32)
    gate = jax.random.randint(k2, (TOKENS,), 0, NUM_EXPERT, dtype=jnp.int32)
    # nn.Linear default init: uniform(-1/sqrt(in_feat), 1/sqrt(in_feat)) per expert
    bound = 1.0 / np.sqrt(IN_FEAT)
    weight = jax.random.uniform(k3, (NUM_EXPERT, OUT_FEAT, IN_FEAT), minval=-bound, maxval=bound, dtype=jnp.float32)
    return {"inp": inp, "gate": gate, "weight": weight}


def reference(inp, gate, weight):
    # Faithful to: x[i] = inp[i] @ weight[gate[i]].T for each token i.
    # Expressed as dense per-expert matmul + one-hot selection (same math,
    # avoids materializing a per-token [B, out, in] weight gather).
    gate_long = gate.astype(jnp.int32)
    num_expert = weight.shape[0]
    onehot = jax.nn.one_hot(gate_long, num_expert, dtype=inp.dtype)  # [B, E]
    # y_all[b, e, o] = inp[b] @ weight[e].T
    y_all = jnp.einsum('bi,eoi->beo', inp, weight)
    x = jnp.einsum('be,beo->bo', onehot, y_all)
    return x

if __name__ == "__main__":
    import jax
    _d = setup_inputs()
    print(jax.jit(kernel)(*tuple(_d.values())))

</pallas_src>

<mosaic_0001>
#map = affine_map<(d0, d1) -> (0, 0)>
#map1 = affine_map<(d0, d1) -> (0)>
module attributes {stable_mosaic.version = 14 : i64} {
  func.func @k(%arg0: i32, %arg1: i32, %arg2: memref<2048x1024xf32, #tpu.memory_space<hbm>>, %arg3: memref<2048xi32, #tpu.memory_space<hbm>>, %arg4: memref<2048x1024xf32, #tpu.memory_space<hbm>>, %arg5: memref<64xi32, #tpu.memory_space<vmem>>, %arg6: memref<64x1024xf32, #tpu.memory_space<vmem>>, %arg7: memref<!tpu.dma_semaphore, #tpu.memory_space<semaphore_mem>>) attributes {dimension_semantics = [#tpu.dimension_semantics<core_parallel>, #tpu.dimension_semantics<subcore_parallel>], iteration_bounds = array<i64: 2, 16>, scalar_prefetch = 0 : i64, scratch_operands = 3 : i64, tpu.core_type = #tpu.core_type<sc_vector_subcore>, window_params = [{transform_indices = #map}, {transform_indices = #map1}, {transform_indices = #map}]} {
    %mul3A = arith.constant 2 : i32
    %mul3A_0 = arith.muli %arg1, %mul3A : i32
    %add3A = arith.addi %mul3A_0, %arg0 : i32
    %mul3A_1 = arith.constant 64 : i32
    %mul3A_2 = arith.muli %add3A, %mul3A_1 : i32
    "tpu.region"() ({
      %run_scoped3A = tpu.sem_alloc : memref<!tpu.dma_semaphore, #tpu.memory_space<semaphore_mem>>
      %dma_start3A_7 = tpu.memref_slice %arg3[%mul3A_2] : memref<2048xi32, #tpu.memory_space<hbm>> -> memref<64xi32, #tpu.memory_space<hbm>>
      %dma_start3A_8 = tpu.memref_slice %arg3[%mul3A_2] : memref<2048xi32, #tpu.memory_space<hbm>> -> memref<64xi32, #tpu.memory_space<hbm>>
      tpu.enqueue_dma source(%dma_start3A_8 : memref<64xi32, #tpu.memory_space<hbm>>) target(%arg5 : memref<64xi32, #tpu.memory_space<vmem>>) target_semaphore(%run_scoped3A : memref<!tpu.dma_semaphore, #tpu.memory_space<semaphore_mem>>)
      %dma_wait3A_9 = tpu.memref_slice %arg3[%mul3A_2] : memref<2048xi32, #tpu.memory_space<hbm>> -> memref<64xi32, #tpu.memory_space<hbm>>
      %dma_wait3A_10 = tpu.memref_slice %arg3[%mul3A_2] : memref<2048xi32, #tpu.memory_space<hbm>> -> memref<64xi32, #tpu.memory_space<hbm>>
      tpu.wait_dma2 semaphore(%run_scoped3A : memref<!tpu.dma_semaphore, #tpu.memory_space<semaphore_mem>>) src(%dma_wait3A_10 : memref<64xi32, #tpu.memory_space<hbm>>) dst(%arg5 : memref<64xi32, #tpu.memory_space<vmem>>)
      tpu.yield
    }) : () -> ()
    "tpu.region"() ({
      %run_scoped3A = tpu.sem_alloc : memref<!tpu.dma_semaphore, #tpu.memory_space<semaphore_mem>>
      %dma_start3A_7 = arith.constant 0 : i32
      %dma_start3A_8 = tpu.memref_slice %arg2[%mul3A_2, %dma_start3A_7] : memref<2048x1024xf32, #tpu.memory_space<hbm>> -> memref<64x1024xf32, #tpu.memory_space<hbm>>
      %dma_start3A_9 = arith.constant 0 : i32
      %dma_start3A_10 = tpu.memref_slice %arg2[%mul3A_2, %dma_start3A_9] : memref<2048x1024xf32, #tpu.memory_space<hbm>> -> memref<64x1024xf32, #tpu.memory_space<hbm>>
      tpu.enqueue_dma source(%dma_start3A_10 : memref<64x1024xf32, #tpu.memory_space<hbm>>) target(%arg6 : memref<64x1024xf32, #tpu.memory_space<vmem>>) target_semaphore(%run_scoped3A : memref<!tpu.dma_semaphore, #tpu.memory_space<semaphore_mem>>)
      %dma_wait3A_11 = arith.constant 0 : i32
      %dma_wait3A_12 = tpu.memref_slice %arg2[%mul3A_2, %dma_wait3A_11] : memref<2048x1024xf32, #tpu.memory_space<hbm>> -> memref<64x1024xf32, #tpu.memory_space<hbm>>
      %dma_wait3A_13 = arith.constant 0 : i32
      %dma_wait3A_14 = tpu.memref_slice %arg2[%mul3A_2, %dma_wait3A_13] : memref<2048x1024xf32, #tpu.memory_space<hbm>> -> memref<64x1024xf32, #tpu.memory_space<hbm>>
      tpu.wait_dma2 semaphore(%run_scoped3A : memref<!tpu.dma_semaphore, #tpu.memory_space<semaphore_mem>>) src(%dma_wait3A_14 : memref<64x1024xf32, #tpu.memory_space<hbm>>) dst(%arg6 : memref<64x1024xf32, #tpu.memory_space<vmem>>)
      tpu.yield
    }) : () -> ()
    %dma_start3A = arith.constant 0 : i32
    %dma_start3A_3 = arith.constant 0 : i32
    %dma_start3A_4 = tpu.memref_slice %arg4[%dma_start3A, %dma_start3A_3] : memref<2048x1024xf32, #tpu.memory_space<hbm>> -> memref<2048x1024xf32, #tpu.memory_space<hbm>>
    tpu.enqueue_indirect_dma source(%arg6 : memref<64x1024xf32, #tpu.memory_space<vmem>>) target(%dma_start3A_4 : memref<2048x1024xf32, #tpu.memory_space<hbm>>) offsets(%arg5 : memref<64xi32, #tpu.memory_space<vmem>>) semaphore(%arg7 : memref<!tpu.dma_semaphore, #tpu.memory_space<semaphore_mem>>)
    %dma_wait3A = arith.constant 0 : i32
    %dma_wait3A_5 = arith.constant 0 : i32
    %dma_wait3A_6 = tpu.memref_slice %arg4[%dma_wait3A, %dma_wait3A_5] : memref<2048x1024xf32, #tpu.memory_space<hbm>> -> memref<2048x1024xf32, #tpu.memory_space<hbm>>
    tpu.wait_indirect_dma semaphore(%arg7 : memref<!tpu.dma_semaphore, #tpu.memory_space<semaphore_mem>>) src(%arg6 : memref<64x1024xf32, #tpu.memory_space<vmem>>) dst(%dma_wait3A_6 : memref<2048x1024xf32, #tpu.memory_space<hbm>>)
    return
  }
}

#map = affine_map<(d0, d1) -> (0, 0)>
#map1 = affine_map<(d0, d1) -> (0)>
module attributes {stable_mosaic.version = 14 : i64} {
  func.func @k(%arg0: i32, %arg1: i32, %arg2: memref<2048x1024xf32, #tpu.memory_space<hbm>>, %arg3: memref<2048xi32, #tpu.memory_space<hbm>>, %arg4: memref<2048x1024xf32, #tpu.memory_space<hbm>>, %arg5: memref<64xi32, #tpu.memory_space<vmem>>, %arg6: memref<64x1024xf32, #tpu.memory_space<vmem>>, %arg7: memref<!tpu.dma_semaphore, #tpu.memory_space<semaphore_mem>>) attributes {dimension_semantics = [#tpu.dimension_semantics<core_parallel>, #tpu.dimension_semantics<subcore_parallel>], iteration_bounds = array<i64: 2, 16>, scalar_prefetch = 0 : i64, scratch_operands = 3 : i64, tpu.core_type = #tpu.core_type<sc_vector_subcore>, window_params = [{transform_indices = #map}, {transform_indices = #map1}, {transform_indices = #map}]} {
    %mul3A = arith.constant 2 : i32
    %mul3A_0 = arith.muli %arg1, %mul3A : i32
    %add3A = arith.addi %mul3A_0, %arg0 : i32
    %mul3A_1 = arith.constant 64 : i32
    %mul3A_2 = arith.muli %add3A, %mul3A_1 : i32
    "tpu.region"() ({
      %run_scoped3A = tpu.sem_alloc : memref<!tpu.dma_semaphore, #tpu.memory_space<semaphore_mem>>
      %dma_start3A_7 = tpu.memref_slice %arg3[%mul3A_2] : memref<2048xi32, #tpu.memory_space<hbm>> -> memref<64xi32, #tpu.memory_space<hbm>>
      %dma_start3A_8 = tpu.memref_slice %arg3[%mul3A_2] : memref<2048xi32, #tpu.memory_space<hbm>> -> memref<64xi32, #tpu.memory_space<hbm>>
      tpu.enqueue_dma source(%dma_start3A_8 : memref<64xi32, #tpu.memory_space<hbm>>) target(%arg5 : memref<64xi32, #tpu.memory_space<vmem>>) target_semaphore(%run_scoped3A : memref<!tpu.dma_semaphore, #tpu.memory_space<semaphore_mem>>)
      %dma_wait3A_9 = tpu.memref_slice %arg3[%mul3A_2] : memref<2048xi32, #tpu.memory_space<hbm>> -> memref<64xi32, #tpu.memory_space<hbm>>
      %dma_wait3A_10 = tpu.memref_slice %arg3[%mul3A_2] : memref<2048xi32, #tpu.memory_space<hbm>> -> memref<64xi32, #tpu.memory_space<hbm>>
      tpu.wait_dma2 semaphore(%run_scoped3A : memref<!tpu.dma_semaphore, #tpu.memory_space<semaphore_mem>>) src(%dma_wait3A_10 : memref<64xi32, #tpu.memory_space<hbm>>) dst(%arg5 : memref<64xi32, #tpu.memory_space<vmem>>)
      tpu.yield
    }) : () -> ()
    %dma_start3A = arith.constant 0 : i32
    %dma_start3A_3 = arith.constant 0 : i32
    %dma_start3A_4 = tpu.memref_slice %arg2[%dma_start3A, %dma_start3A_3] : memref<2048x1024xf32, #tpu.memory_space<hbm>> -> memref<2048x1024xf32, #tpu.memory_space<hbm>>
    tpu.enqueue_indirect_dma source(%dma_start3A_4 : memref<2048x1024xf32, #tpu.memory_space<hbm>>) target(%arg6 : memref<64x1024xf32, #tpu.memory_space<vmem>>) offsets(%arg5 : memref<64xi32, #tpu.memory_space<vmem>>) semaphore(%arg7 : memref<!tpu.dma_semaphore, #tpu.memory_space<semaphore_mem>>)
    %dma_wait3A = arith.constant 0 : i32
    %dma_wait3A_5 = arith.constant 0 : i32
    %dma_wait3A_6 = tpu.memref_slice %arg2[%dma_wait3A, %dma_wait3A_5] : memref<2048x1024xf32, #tpu.memory_space<hbm>> -> memref<2048x1024xf32, #tpu.memory_space<hbm>>
    tpu.wait_indirect_dma semaphore(%arg7 : memref<!tpu.dma_semaphore, #tpu.memory_space<semaphore_mem>>) src(%dma_wait3A_6 : memref<2048x1024xf32, #tpu.memory_space<hbm>>) dst(%arg6 : memref<64x1024xf32, #tpu.memory_space<vmem>>)
    "tpu.region"() ({
      %run_scoped3A = tpu.sem_alloc : memref<!tpu.dma_semaphore, #tpu.memory_space<semaphore_mem>>
      %dma_start3A_7 = arith.constant 0 : i32
      %dma_start3A_8 = tpu.memref_slice %arg4[%mul3A_2, %dma_start3A_7] : memref<2048x1024xf32, #tpu.memory_space<hbm>> -> memref<64x1024xf32, #tpu.memory_space<hbm>>
      %dma_start3A_9 = arith.constant 0 : i32
      %dma_start3A_10 = tpu.memref_slice %arg4[%mul3A_2, %dma_start3A_9] : memref<2048x1024xf32, #tpu.memory_space<hbm>> -> memref<64x1024xf32, #tpu.memory_space<hbm>>
      tpu.enqueue_dma source(%arg6 : memref<64x1024xf32, #tpu.memory_space<vmem>>) target(%dma_start3A_10 : memref<64x1024xf32, #tpu.memory_space<hbm>>) target_semaphore(%run_scoped3A : memref<!tpu.dma_semaphore, #tpu.memory_space<semaphore_mem>>)
      %dma_wait3A_11 = arith.constant 0 : i32
      %dma_wait3A_12 = tpu.memref_slice %arg4[%mul3A_2, %dma_wait3A_11] : memref<2048x1024xf32, #tpu.memory_space<hbm>> -> memref<64x1024xf32, #tpu.memory_space<hbm>>
      %dma_wait3A_13 = arith.constant 0 : i32
      %dma_wait3A_14 = tpu.memref_slice %arg4[%mul3A_2, %dma_wait3A_13] : memref<2048x1024xf32, #tpu.memory_space<hbm>> -> memref<64x1024xf32, #tpu.memory_space<hbm>>
      tpu.wait_dma2 semaphore(%run_scoped3A : memref<!tpu.dma_semaphore, #tpu.memory_space<semaphore_mem>>) src(%arg6 : memref<64x1024xf32, #tpu.memory_space<vmem>>) dst(%dma_wait3A_14 : memref<64x1024xf32, #tpu.memory_space<hbm>>)
      tpu.yield
    }) : () -> ()
    return
  }
}

module attributes {stable_mosaic.version = 14 : i64} {
  func.func @_mm_body(%arg0: i32, %arg1: memref<5x11xi32, #tpu.memory_space<smem>>, %arg2: memref<512x1024xf32, #tpu.memory_space<vmem>>, %arg3: memref<1x1024x1024xf32, #tpu.memory_space<vmem>>, %arg4: memref<512x1024xf32, #tpu.memory_space<vmem>>) attributes {dimension_semantics = [#tpu.dimension_semantics<arbitrary>], iteration_bounds = array<i64: 11>, scalar_prefetch = 1 : i64, scratch_operands = 0 : i64, tpu.core_type = #tpu.core_type<tc>, window_params = [{transform_indices = @transform_0, window_bounds = array<i64: 512, 1024>}, {transform_indices = @transform_1, window_bounds = array<i64: 1, 1024, 1024>}, {transform_indices = @transform_2, window_bounds = array<i64: 512, 1024>}]} {
    %get3A = arith.constant 2 : index
    %get3A_0 = arith.index_cast %arg0 : i32 to index
    %get3A_1 = memref.load %arg1[%get3A, %get3A_0] : memref<5x11xi32, #tpu.memory_space<smem>>
    %get3A_2 = arith.constant 3 : index
    %get3A_3 = arith.index_cast %arg0 : i32 to index
    %get3A_4 = memref.load %arg1[%get3A_2, %get3A_3] : memref<5x11xi32, #tpu.memory_space<smem>>
    %get3A_5 = arith.constant 4 : index
    %get3A_6 = arith.index_cast %arg0 : i32 to index
    %get3A_7 = memref.load %arg1[%get3A_5, %get3A_6] : memref<5x11xi32, #tpu.memory_space<smem>>
    %get3A_8 = arith.constant 0 : index
    %get3A_9 = arith.index_cast %arg0 : i32 to index
    %get3A_10 = memref.load %arg1[%get3A_8, %get3A_9] : memref<5x11xi32, #tpu.memory_space<smem>>
    %mul3A = arith.constant 512 : i32
    %mul3A_11 = arith.muli %get3A_10, %mul3A : i32
    %iota3A = tpu.iota {dimensions = array<i32: 0>} : vector<512x1xi32>
    %add3A = vector.broadcast %mul3A_11 : i32 to vector<512x1xi32>
    %add3A_12 = arith.addi %add3A, %iota3A : vector<512x1xi32>
    %ge3A = vector.broadcast %get3A_4 : i32 to vector<512x1xi32>
    %ge3A_13 = arith.cmpi sge, %add3A_12, %ge3A : vector<512x1xi32>
    %lt3A = vector.broadcast %get3A_7 : i32 to vector<512x1xi32>
    %lt3A_14 = arith.cmpi slt, %add3A_12, %lt3A : vector<512x1xi32>
    %and3A = arith.andi %ge3A_13, %lt3A_14 : vector<512x1xi1>
    %get3A_15 = arith.constant 0 : index
    %get3A_16 = arith.constant 0 : index
    %get3A_17 = vector.load %arg2[%get3A_15, %get3A_16] : memref<512x1024xf32, #tpu.memory_space<vmem>>, vector<512x1024xf32>
    %jit3A = arith.constant 0.000000e+00 : f32
    %broadcast_in_dim3A = vector.shape_cast %and3A : vector<512x1xi1> to vector<512x1xi1>
    %broadcast_in_dim3A_18 = vector.broadcast %broadcast_in_dim3A : vector<512x1xi1> to vector<512x1024xi1>
    %broadcast_in_dim3A_19 = vector.broadcast %jit3A : f32 to vector<512x1024xf32>
    %select_n3A = arith.select %broadcast_in_dim3A_18, %get3A_17, %broadcast_in_dim3A_19 : vector<512x1024xi1>, vector<512x1024xf32>
    %get3A_20 = arith.constant 0 : index
    %get3A_21 = arith.constant 0 : index
    %get3A_22 = arith.constant 0 : index
    %get3A_23 = vector.load %arg3[%get3A_20, %get3A_21, %get3A_22] : memref<1x1024x1024xf32, #tpu.memory_space<vmem>>, vector<1x1024x1024xf32>
    %get3A_24 = vector.shape_cast %get3A_23 : vector<1x1024x1024xf32> to vector<1024x1024xf32>
    %dot_general3A = arith.constant dense<0.000000e+00> : vector<512x1024xf32>
    %dot_general3A_25 = tpu.matmul %select_n3A, %get3A_24, %dot_general3A {dimension_numbers = #tpu.dot_dimension_numbers<[1], [1], [0], [0], [0, 0, 1, 0], [], []>, transpose_lhs_hint = false} : vector<512x1024xf32>, vector<1024x1024xf32>, vector<512x1024xf32> -> vector<512x1024xf32>
    %eq3A = arith.constant 1 : i32
    %eq3A_26 = arith.cmpi eq, %get3A_1, %eq3A : i32
    %convert_element_type3A = arith.extui %eq3A_26 : i1 to i32
    %cond3A = arith.constant 0 : i32
    %cond3A_27 = arith.cmpi ne, %convert_element_type3A, %cond3A : i32
    scf.if %cond3A_27 {
      %swap3A = arith.constant 0 : index
      %swap3A_33 = arith.constant 0 : index
      %swap3A_34 = vector.load %arg4[%swap3A, %swap3A_33] : memref<512x1024xf32, #tpu.memory_space<vmem>>, vector<512x1024xf32>
      tpu.vector_store %arg4[%swap3A, %swap3A_33], %dot_general3A_25 {strides = array<i32>} : memref<512x1024xf32, #tpu.memory_space<vmem>>, vector<512x1024xf32>,
    } else {
    }
    %eq3A_28 = arith.constant 0 : i32
    %eq3A_29 = arith.cmpi eq, %get3A_1, %eq3A_28 : i32
    %convert_element_type3A_30 = arith.extui %eq3A_29 : i1 to i32
    %cond3A_31 = arith.constant 0 : i32
    %cond3A_32 = arith.cmpi ne, %convert_element_type3A_30, %cond3A_31 : i32
    scf.if %cond3A_32 {
      %get3A_33 = arith.constant 0 : index
      %get3A_34 = arith.constant 0 : index
      %get3A_35 = vector.load %arg4[%get3A_33, %get3A_34] : memref<512x1024xf32, #tpu.memory_space<vmem>>, vector<512x1024xf32>
      %add3A_36 = arith.addf %get3A_35, %dot_general3A_25 : vector<512x1024xf32>
      %swap3A = arith.constant 0 : index
      %swap3A_37 = arith.constant 0 : index
      %swap3A_38 = vector.load %arg4[%swap3A, %swap3A_37] : memref<512x1024xf32, #tpu.memory_space<vmem>>, vector<512x1024xf32>
      tpu.vector_store %arg4[%swap3A, %swap3A_37], %add3A_36 {strides = array<i32>} : memref<512x1024xf32, #tpu.memory_space<vmem>>, vector<512x1024xf32>,
    } else {
    }
    return
  }
  func.func @transform_0(%arg0: i32, %arg1: memref<5x11xi32, #tpu.memory_space<smem>>) -> (i32, i32) {
    %get3A = arith.constant 0 : index
    %get3A_0 = arith.index_cast %arg0 : i32 to index
    %get3A_1 = memref.load %arg1[%get3A, %get3A_0] : memref<5x11xi32, #tpu.memory_space<smem>>
    %c0_i32 = arith.constant 0 : i32
    %c0_i32_2 = arith.constant 0 : i32
    return %get3A_1, %c0_i32 : i32, i32
  }
  func.func @transform_1(%arg0: i32, %arg1: memref<5x11xi32, #tpu.memory_space<smem>>) -> (i32, i32, i32) {
    %get3A = arith.constant 1 : index
    %get3A_0 = arith.index_cast %arg0 : i32 to index
    %get3A_1 = memref.load %arg1[%get3A, %get3A_0] : memref<5x11xi32, #tpu.memory_space<smem>>
    %c0_i32 = arith.constant 0 : i32
    %c0_i32_2 = arith.constant 0 : i32
    %c0_i32_3 = arith.constant 0 : i32
    return %get3A_1, %c0_i32, %c0_i32_2 : i32, i32, i32
  }
  func.func @transform_2(%arg0: i32, %arg1: memref<5x11xi32, #tpu.memory_space<smem>>) -> (i32, i32) {
    %get3A = arith.constant 0 : index
    %get3A_0 = arith.index_cast %arg0 : i32 to index
    %get3A_1 = memref.load %arg1[%get3A, %get3A_0] : memref<5x11xi32, #tpu.memory_space<smem>>
    %c0_i32 = arith.constant 0 : i32
    %c0_i32_2 = arith.constant 0 : i32
    return %get3A_1, %c0_i32 : i32, i32
  }
}

</mosaic_0001>

<sc_bundles>
// kernel: kernel.5.cloned.1.call-start
scs
__scs_entry_jumppad:
0x0: {  	(pc) =	sbr.rel $0x88, $3  }
0x1: {  	(tag) =	ssettag $0x0;
	lr =	simm.s32 $0x1  }
0x2: {  	[smem:$0x3F9E] =	sst lr;
	_ =	strace $0xD0000000  }
0x3: {  	_ = 	snop  }
0x4: {  	_ = 	snop  }
0x5: {  	_ = 	snop  }
0x6: {  	_ = 	snop  }
0x7: {  	_ = 	snop  }
__scs_overlays_trampoline_lowered:
0x8: {  	[smem:$0x3FAD] =	sst s0  }
0x9: {  	[smem:$0x3FAE] =	sst s1  }
0xa: {  	[smem:$0x3FAF] =	sst s2  }
0xb: {  	[smem:$0x3FB0] =	sst s3  }
0xc: {  	[smem:$0x3FB1] =	sst s4  }
0xd: {  	[smem:$0x3FB2] =	sst s5  }
0xe: {  	[smem:$0x3FB3] =	sst s6  }
0xf: {  	[smem:$0x3FB4] =	sst s7  }
0x10: {  	[smem:$0x3FB5] =	sst s8  }
0x11: {  	[smem:$0x3FB6] =	sst s9;
	s0 =	simm.s32 @!p0 $0x0  }
0x12: {  	s1 =	sld [smem:$0x3F9C];
	s0 =	simm.s32 @p0 $0x1  }
0x13: {  	[smem:$0x3FB7] =	sst s0;
	s0 =	simm.s32 @!p1 $0x0  }
0x14: {  	s2 =	sld [smem:$0x3F9B];
	s0 =	simm.s32 @p1 $0x1  }
0x15: {  	[smem:$0x3FB8] =	sst s0;
	s0 =	simm.s32 @!p2 $0x0  }
0x16: {  	s3 =	sld [smem:$0x3FDB];
	s0 =	simm.s32 @p2 $0x1  }
0x17: {  	s4 =	simm.s32 $0x1BF5;
	[smem:$0x3FBA] =	sst s0  }
0x18: {  	s0 =	sld [smem:$0x3F9D];
	_ =	swait.ge [sflag:s4], $0x0  }
0x19: {  	s7 =	sld [smem:$0x3F9E]  }
0x1a: {  	s8 =	sadd.s32 $0xFFFFE003, lr  }
0x1b: {  	s9 =	sadd.s32 $0xFFFFFEF7, lr;
	s5 =	simm.s32 $0xFFFFFFFF;
	p2 =	slt.u32 s8, $0xFFFFF086  }
0x1c: {  	p1 =	slt.u32 s9, $0xF7A;
	s5 =	simm.s32 @!p2 $0x0  }
0x1d: {  	s5 =	simm.s32 @p1 $0x1;
	p0 =	seq.s32 s7, s2  }
0x1e: {  	s7 =	smul.u32 @!p0 $0xF7A, s2;
	p2 =	seq.s32 @!p0 s5, $0x0  }
0x1f: {  	s9 =	smul.u32 $0xF7A, s1;
	s8 =	simm.s32 @!p0 $0x1BF5;
	p2 =	por !p2, p0  }
0x20: {  	[sflag:s8] =	ssyncset.s32 @!p0 $0xFFFFF086;
	s6 =	sadd.s32 @!p0 s3, s7;
	s7 =	simm.s32 @!p0 $0x108  }
0x21: {  	s3 =	sadd.s32 s3, s9;
	s6 =	sadd.s32 @!p0 $0x88, s6;
	s7 =	simm.s32 @p2 $0x1082  }
0x22: {  	[simem:s7], [sflag:s8] =	dma.local @!p0 [hbm:s6], $0xF7A  }
0x23: {  	s9 =	sor.u32 $0xD0000000, s2;
	s6 =	simm.s32 $0x108;
	_ =	swait.ge @!p0 [sflag:s8], $0x0  }
0x24: {  	s3 =	sadd.s32 $0x88, s3;
	s6 =	simm.s32 @!p1 $0x1082;
	[sflag:s4] =	ssyncset.s32 $0xFFFFF086  }
0x25: {  	[simem:s6], [sflag:s4] =	dma.local [hbm:s3], $0xF7A  }
0x26: {  	[smem:$0x3F9E] =	sst s1;
	(tag) =	ssettag s2;
	_ =	strace s9  }
0x27: {  	s1 =	sld [smem:$0x3FAE]  }
0x28: {  	s2 =	sld [smem:$0x3FAF]  }
0x29: {  	s4 =	sld [smem:$0x3FB1]  }
0x2a: {  	p0 =	seq.s32 s5, $0x0;
	s5 =	sld [smem:$0x3FB2]  }
0x2b: {  	s6 =	sld [smem:$0x3FB3]  }
0x2c: {  	s7 =	sld [smem:$0x3FB4]  }
0x2d: {  	s3 =	simm.s32 $0x108;
	s8 =	sld [smem:$0x3FB5]  }
0x2e: {  	s3 =	simm.s32 @!p0 $0x1082;
	s9 =	sld [smem:$0x3FB6]  }
0x2f: {  	lr =	sadd.s32 s0, s3;
	s0 =	sld [smem:$0x3FAD]  }
0x30: {  	s3 =	sld [smem:$0x3FB0]  }
0x31: {  	[smem:$0x3FB9] =	sst s10  }
0x32: {  	s10 =	sld [smem:$0x3FB7];
	_ =	sdelay $0x3  }
0x33: {  	p0 =	seq.s32 s10, $0x1;
	s10 =	sld [smem:$0x3FB9];
	_ =	sdelay $0x3  }
0x34: {  	[smem:$0x3FB9] =	sst s10  }
0x35: {  	s10 =	sld [smem:$0x3FB8];
	_ =	sdelay $0x3  }
0x36: {  	p1 =	seq.s32 s10, $0x1;
	s10 =	sld [smem:$0x3FB9];
	_ =	sdelay $0x3  }
0x37: {  	[smem:$0x3FB9] =	sst s10  }
0x38: {  	s10 =	sld [smem:$0x3FBA]  }
0x39: {  	_ = 	snop;
	(pc) =	sbr.ind lr, $3  }
0x3a: {  	_ = 	snop  }
0x3b: {  	_ = 	snop  }
0x3c: {  	p2 =	seq.s32 s10, $0x1;
	s10 =	sld [smem:$0x3FB9]  }
0x3d: {  	_ =	shalt  }
0x3e: {  	_ =	shalt  }
0x3f: {  	_ =	shalt  }
0x40: {  	_ =	shalt  }
0x41: {  	_ =	shalt  }
0x42: {  	_ =	shalt  }
0x43: {  	_ =	shalt  }
0x44: {  	_ =	shalt  }
0x45: {  	_ =	shalt  }
0x46: {  	_ =	shalt  }
0x47: {  	_ =	shalt  }
0x48: {  	_ =	shalt  }
0x49: {  	_ =	shalt  }
0x4a: {  	_ =	shalt  }
0x4b: {  	_ =	shalt  }
0x4c: {  	_ =	shalt  }
0x4d: {  	_ =	shalt  }
0x4e: {  	_ =	shalt  }
0x4f: {  	_ =	shalt  }
0x50: {  	_ =	shalt  }
0x51: {  	_ =	shalt  }
0x52: {  	_ =	shalt  }
0x53: {  	_ =	shalt  }
0x54: {  	_ =	shalt  }
0x55: {  	_ =	shalt  }
0x56: {  	_ =	shalt  }
0x57: {  	_ =	shalt  }
0x58: {  	_ =	shalt  }
0x59: {  	_ =	shalt  }
0x5a: {  	_ =	shalt  }
0x5b: {  	_ =	shalt  }
0x5c: {  	_ =	shalt  }
0x5d: {  	_ =	shalt  }
0x5e: {  	_ =	shalt  }
0x5f: {  	_ =	shalt  }
0x60: {  	_ =	shalt  }
0x61: {  	_ =	shalt  }
0x62: {  	_ =	shalt  }
0x63: {  	_ =	shalt  }
0x64: {  	_ =	shalt  }
0x65: {  	_ =	shalt  }
0x66: {  	_ =	shalt  }
0x67: {  	_ =	shalt  }
0x68: {  	_ =	shalt  }
0x69: {  	_ =	shalt  }
0x6a: {  	_ =	shalt  }
0x6b: {  	_ =	shalt  }
0x6c: {  	_ =	shalt  }
0x6d: {  	_ =	shalt  }
0x6e: {  	_ =	shalt  }
0x6f: {  	_ =	shalt  }
0x70: {  	_ =	shalt  }
0x71: {  	_ =	shalt  }
0x72: {  	_ =	shalt  }
0x73: {  	_ =	shalt  }
0x74: {  	_ =	shalt  }
0x75: {  	_ =	shalt  }
0x76: {  	_ =	shalt  }
0x77: {  	_ =	shalt  }
0x78: {  	_ =	shalt  }
0x79: {  	_ =	shalt  }
0x7a: {  	_ =	shalt  }
0x7b: {  	_ =	shalt  }
0x7c: {  	_ =	shalt  }
0x7d: {  	_ =	shalt  }
0x7e: {  	_ =	shalt  }
0x7f: {  	_ =	shalt  }
0x80: {  	_ =	shalt  }
0x81: {  	_ =	shalt  }
0x82: {  	_ =	shalt  }
0x83: {  	_ =	shalt  }
0x84: {  	_ =	shalt  }
0x85: {  	_ =	shalt  }
0x86: {  	_ =	shalt  }
0x87: {  	_ =	shalt  }
.Lfunc_end0:
.L_simem_size_0:
called_computation_lowered:
.L_overlay_start_0:
0x88: {  	s2 =	sld [smem:$0x3FD9]  }
0x89: {  	s3 =	sld [smem:$0x3FFE];
	_ =	sdelay $0x1  }
0x8a: {  	s1 =	srdreg.scid  }
0x8b: {  	s0 =	sand.u32 $0x1, s1  }
0x8c: {  	s17 =	sshll.u32 s0, $0xA;
	s2 =	sadd.s32 s3, s2  }
0x8d: {  	s2 =	sadd.s32 s2, s17  }
0x8e: {  	[smem:$0x3FC5] =	sst s2  }
0x8f: {  	_ = 	snop  }
0x90: {  	s2 =	sld [smem:$0x3FC9]  }
0x91: {  	s18 =	sld [smem:$0x3FD0];
	(tm) =	ssettm $0x1  }
0x92: {  	s4 =	sld [smem:$0x3FFB];
	_ =	sdelay $0x3  }
0x93: {  	_ =	strace s4  }
0x94: {  	s4 =	sld [smem:$0x3FFC];
	_ =	sdelay $0x3  }
0x95: {  	_ =	strace s4  }
0x96: {  	s4 =	sld [smem:$0x3FFD];
	_ =	sdelay $0x3  }
0x97: {  	_ =	strace s4  }
0x98: {  	_ =	strace $0x8FFFFFFF  }
0x99: {  	s19 =	sld [smem:$0x3FDB];
	_ =	sdelay $0x1  }
0x9a: {  	s5 =	simm.s32 $_scs_section_size  }
0x9b: {  	s6 =	simm.s32 $_size__tile_overlayer_lowered;
	s7 =	simm.s32 $_tile_overlayer_lowered  }
0x9c: {  	s22 =	simm.s32 $0x1BFF;
	s21 =	sshll.u32 s7, $0x1;
	s4 =	sadd.s32 s5, s19  }
0x9d: {  	s8 =	simm.s32 $0x0;
	s20 =	sshll.u32 s6, $0x1;
	s6 =	sadd.s32 s21, s4  }
0x9e: {  	[timem:s8], [sflag:s22] =	dma.local [hbm:s6], s20  }
0x9f: {  	_ =	swait.ge [sflag:s22], s20  }
0xa0: {  	s5 =	ssub.s32 $0x0, s20;
	[sflag:s22] =	ssyncset.done $0x0  }
0xa1: {  	[sflag:s22] =	ssyncadd.s32 s5;
	_ =	sdelay $0x1  }
0xa2: {  	s23 =	simm.s32 $0x1B8B  }
0xa3: {  	_ =	swait.ge [sflag:s23], $0x1  }
0xa4: {  	[sflag:s23] =	ssyncset.done $0x0  }
0xa5: {  	s25 =	simm.s32 $0x1B8E;
	s24 =	sld [smem:$0x3FFE];
	[sflag:s23] =	ssyncadd.s32 $0xFFFFFFFF  }
0xa6: {  	s26 =	simm.s32 $execute0_lowered;
	[smem:$0x3FD2] =	sst s25  }
0xa7: {  	s6 =	sshll.u32 s26, $0x1;
	_ =	strace $0x80000046;
	[dreg:$0x1] =	wrdreg $0xFFFFFFFF  }
0xa8: {  	s28 =	simm.s32 $_size_execute0_lowered;
	s4 =	sadd.s32 s4, s6;
	[dreg:$0x0] =	wrdreg $0x0  }
0xa9: {  	s6 =	sshll.u32 s28, $0x1;
	[dreg:$0x2] =	wrdreg s4  }
0xaa: {  	[dreg:$0x3] =	wrdreg s6  }
0xab: {  	[dreg:$0x4] =	wrdreg $0xC0  }
0xac: {  	_ =	task [dreg:s8], $0x5FFFF  }
0xad: {  	[dreg:$0x1] =	wrdreg $0xFFFFFFFF  }
0xae: {  	[dreg:$0x0] =	wrdreg $0x60  }
0xaf: {  	[dreg:$0x2] =	wrdreg s2  }
0xb0: {  	[dreg:$0x3] =	wrdreg s24  }
0xb1: {  	[dreg:$0x4] =	wrdreg s18  }
0xb2: {  	[dreg:$0x5] =	wrdreg $0x9  }
0xb3: {  	_ =	task.clear_ibuf [dreg:s8], $0x6FFFF;
	_ =	strace $0x90000046  }
0xb4: {  	s29 =	simm.s32 $0x9;
	_ =	strace $0x80000048  }
0xb5: {  	_ =	swait.ge [sflag:s29], $0x1  }
0xb6: {  	[sflag:s29] =	ssyncadd.s32 $0xFFFFFFFF  }
0xb7: {  	_ =	strace $0x90000048  }
0xb8: {  	_ =	sfence  }
0xb9: {  	s30 =	sld [smem:$0x0];
	_ =	sdelay $0x2  }
0xba: {  	s31 =	sshll.u32 s1, $0xD;
	s1 =	sshrl.u32 s1, $0x2  }
0xbb: {  	s3 =	sand.u32 $0x4000, s31;
	s1 =	sadd.s32 s1, s30  }
0xbc: {  	s0 =	sor.u32 s3, s0;
	s1 =	sshll.u32 s1, $0x11  }
0xbd: {  	s0 =	sor.u32 s1, s0  }
0xbe: {  	s0 =	sadd.s32 $0x8F2B, s0  }
0xbf: {  	[sflag:s0] =	ssyncadd.remote.s32 $0x1  }
0xc0: {  	_ =	sfence.sel $0xFFFF  }
0xc1: {  	[dreg:$0x0] =	wrdreg $0xFFFFFFFF;
	(pc) =	sbr.abs _section_cstart, $3  }
0xc2: {  	[dreg:$0x1] =	wrdreg $0xFFFFFFFF  }
0xc3: {  	_ =	task.clear_ibuf [dreg:s8], $0x2FFFF;
	_ =	strace $0x9FFFFFFF  }
0xc4: {  	(tm) =	ssettm $0x7FFFFFFF  }
0xc5: {  	_ =	shalt  }
tec
execute0_lowered:
.L_overlay_start_1:
0x0: {  	(tag) =	ssettag $0x1  }
0x1: {  	s1 =	rddreg [dreg:$0x0];
	s2 =	srdreg.scid  }
0x2: {  	s4 =	rddreg [dreg:$0x1];
	s0 =	stileid.u32;
	s3 =	simm.s32 $0x0  }
0x3: {  	s15 =	simm.s32 $0x880;
	s16 =	simm.s32 $0x1080;
	s18 =	simm.s32 $0x1880  }
0x4: {  	s19 =	simm.s32 $0x2080;
	s5 =	sand.u32 $0x1, s2;
	s2 =	rddreg [dreg:$0x2]  }
0x5: {  	s21 =	simm.s32 $0x2880;
	s22 =	simm.s32 $0x3080;
	[smem:$0x7FF] =	sst s3  }
0x6: {  	s23 =	simm.s32 $0x3880;
	_ =	strace $0x80000047;
	[dreg:$0x6] =	wrdreg s15  }
0x7: {  	s24 =	simm.s32 $0x4080;
	s25 =	simm.s32 $0x4880;
	[dreg:$0x7] =	wrdreg s16  }
0x8: {  	s8 =	simm.s32 $0x2;
	s26 =	simm.s32 $0x5080;
	[dreg:$0x8] =	wrdreg s18  }
0x9: {  	s9 =	simm.s32 $0x80;
	s11 =	simm.s32 $0x6080;
	[dreg:$0x9] =	wrdreg s19  }
0xa: {  	s12 =	simm.s32 $0x6880;
	s13 =	simm.s32 $0x7080;
	[dreg:$0xa] =	wrdreg s21  }
0xb: {  	s14 =	simm.s32 $0x7880;
	s28 =	simm.s32 $0xE080;
	[dreg:$0xb] =	wrdreg s22  }
0xc: {  	s29 =	simm.s32 $0xE880;
	s30 =	simm.s32 $0xF080;
	[dreg:$0xc] =	wrdreg s23  }
0xd: {  	s31 =	simm.s32 $0xF880;
	s6 =	sshll.u32 s0, $0x7;
	[dreg:$0xd] =	wrdreg s24  }
0xe: {  	s7 =	sshll.u32 s5, $0x6;
	s17 =	ssub.s32 $0x2, s5;
	[dreg:$0xe] =	wrdreg s25  }
0xf: {  	[dreg:$0xf] =	wrdreg s26;
	s15 =	simm.s32 $0x8080;
	s16 =	simm.s32 $0x8880  }
0x10: {  	s18 =	simm.s32 $0x9880;
	s19 =	simm.s32 $0xA080;
	s21 =	simm.s32 $0xB080  }
0x11: {  	s22 =	simm.s32 $0xB880;
	s23 =	simm.s32 $0xC080;
	s24 =	simm.s32 $0xC880  }
0x12: {  	s25 =	simm.s32 $0xD080;
	s26 =	simm.s32 $0xD880;
	s6 =	sor.u32 s7, s6  }
0x13: {  	s5 =	sshrl.u32 s17, $0x1;
	s7 =	sshrl.u32 s6, $0x3;
	s6 =	sshll.u32 s6, $0x7  }
0x14: {  	s20 =	ssub.s32 s17, s5;
	s5 =	sadd.s32 $0x200, s2;
	s17 =	simm.s32 $0x9080  }
0x15: {  	v2 =	vlaneseq.u32;
	s4 =	sadd.s32 s4, s7;
	s1 =	sadd.s32 s1, s6;
	s6 =	sadd.s32 $0x300, s2  }
0x16: {  	vm0 =	vmmov $0xffff;
	v1 =	vshrl.u32 v2, $0x3;
	s7 =	smax.u32 s20, $0x1;
	s20 =	simm.s32 $0xA880;
	[dreg:$0x4] =	wrdreg s4  }
0x17: {  	v0 =	vand.u32 $0x7, v2;
	v2 =	vor.u32 $0x8, v2;
	v1 =	vmul.u32 $0x8, v1;
	[dreg:$0x5] =	wrdreg s1;
	s4 =	sadd.s32 $0x100, s2;
	s1 =	simm.s32 $0x1  }
.LBB2_1:
0x18: {  	s0 =	rddreg [dreg:$0x4]  }
0x19: {  	[tilespmem:s3], [sflag:$0x2] =	stream.linear.gather [hbm4b:s0+s3], $0x40, $0x38;
	[tilespmem:$0x10080] =	vst v63  }
0x1a: {  	_ =	swait.ge [sflag:s8], $0x40  }
0x1b: {  	[sflag:s8] =	ssyncset.done $0x0  }
0x1c: {  	s10 =	rddreg [dreg:$0x5];
	[sflag:s8] =	ssyncadd.s32 $0xFFFFFFC0  }
0x1d: {  	[tilespmem:s9], [sflag:$0x2] =	stream.linear.gather [hbm4b:s10+s3], $0x10000, $0x38;
	[tilespmem:$0x10080] =	vst v63  }
0x1e: {  	_ =	swait.ge [sflag:s8], $0x10000  }
0x1f: {  	[sflag:s8] =	ssyncset.done $0x0  }
0x20: {  	[sflag:s8] =	ssyncadd.s32 $0xFFFF0000  }
0x21: {  	v3 =	vld [tilespmem:$0x0];
	_ =	sdelay $0x4  }
0x22: {  	v4 =	vshll.u32 v3, $0x3  }
0x23: {  	v3 =	vand.u32 $0x7, v3;
	v4 =	vand.u32 $0xFFFFFFC0, v4  }
0x24: {  	v3 =	vor.u32 v3, v4  }
0x25: {  	v4 =	vperm.xlane v3, v0;
	_ =	sdelay $0x1  }
0x26: {  	v4 =	vadd.s32 v1, v4;
	_ =	sdelay $0x4  }
0x27: {  	[hbm4b:s2+s3] =	stream.indirect_vreg.scatter [tilespmem:s9], [sflag:$0x1], $0x80, v4, vm0, $0xb8;
	[tilespmem:$0x10080] =	vst v63  }
0x28: {  	s0 =	rddreg [dreg:$0x6];
	v3 =	vperm.xlane v3, v2  }
0x29: {  	[hbm4b:s4+s3] =	stream.indirect_vreg.scatter [tilespmem:s0], [sflag:$0x1], $0x80, v4, vm0, $0xb8;
	[tilespmem:$0x10080] =	vst v63  }
0x2a: {  	s10 =	rddreg [dreg:$0x7];
	v3 =	vadd.s32 v1, v3  }
0x2b: {  	[hbm4b:s5+s3] =	stream.indirect_vreg.scatter [tilespmem:s10], [sflag:$0x1], $0x80, v4, vm0, $0xb8;
	[tilespmem:$0x10080] =	vst v63  }
0x2c: {  	s0 =	rddreg [dreg:$0x8]  }
0x2d: {  	[hbm4b:s6+s3] =	stream.indirect_vreg.scatter [tilespmem:s0], [sflag:$0x1], $0x80, v4, vm0, $0xb8;
	[tilespmem:$0x10080] =	vst v63  }
0x2e: {  	s10 =	rddreg [dreg:$0x9]  }
0x2f: {  	[hbm4b:s2+s3] =	stream.indirect_vreg.scatter [tilespmem:s10], [sflag:$0x1], $0x80, v3, vm0, $0xb8;
	[tilespmem:$0x10080] =	vst v63  }
0x30: {  	s0 =	rddreg [dreg:$0xa]  }
0x31: {  	[hbm4b:s4+s3] =	stream.indirect_vreg.scatter [tilespmem:s0], [sflag:$0x1], $0x80, v3, vm0, $0xb8;
	[tilespmem:$0x10080] =	vst v63  }
0x32: {  	s10 =	rddreg [dreg:$0xb]  }
0x33: {  	[hbm4b:s5+s3] =	stream.indirect_vreg.scatter [tilespmem:s10], [sflag:$0x1], $0x80, v3, vm0, $0xb8;
	[tilespmem:$0x10080] =	vst v63  }
0x34: {  	s0 =	rddreg [dreg:$0xc]  }
0x35: {  	[hbm4b:s6+s3] =	stream.indirect_vreg.scatter [tilespmem:s0], [sflag:$0x1], $0x80, v3, vm0, $0xb8;
	[tilespmem:$0x10080] =	vst v63  }
0x36: {  	v3 =	vld [tilespmem:$0x10];
	_ =	sdelay $0x4  }
0x37: {  	v61 =	vshll.u32 v3, $0x3  }
0x38: {  	v3 =	vand.u32 $0x7, v3;
	v4 =	vand.u32 $0xFFFFFFC0, v61  }
0x39: {  	v3 =	vor.u32 v3, v4  }
0x3a: {  	v4 =	vperm.xlane v3, v0;
	_ =	sdelay $0x1  }
0x3b: {  	v4 =	vadd.s32 v1, v4;
	_ =	sdelay $0x3  }
0x3c: {  	s0 =	rddreg [dreg:$0xd]  }
0x3d: {  	[hbm4b:s2+s3] =	stream.indirect_vreg.scatter [tilespmem:s0], [sflag:$0x1], $0x80, v4, vm0, $0xb8;
	[tilespmem:$0x10080] =	vst v63  }
0x3e: {  	s10 =	rddreg [dreg:$0xe];
	v3 =	vperm.xlane v3, v2  }
0x3f: {  	[hbm4b:s4+s3] =	stream.indirect_vreg.scatter [tilespmem:s10], [sflag:$0x1], $0x80, v4, vm0, $0xb8;
	[tilespmem:$0x10080] =	vst v63  }
0x40: {  	v3 =	vadd.s32 v1, v3;
	s0 =	rddreg [dreg:$0xf]  }
0x41: {  	[hbm4b:s5+s3] =	stream.indirect_vreg.scatter [tilespmem:s0], [sflag:$0x1], $0x80, v4, vm0, $0xb8;
	[tilespmem:$0x10080] =	vst v63  }
0x42: {  	s10 =	simm.s32 $0x5880  }
0x43: {  	[hbm4b:s6+s3] =	stream.indirect_vreg.scatter [tilespmem:s10], [sflag:$0x1], $0x80, v4, vm0, $0xb8;
	[tilespmem:$0x10080] =	vst v63  }
0x44: {  	_ = 	snop  }
0x45: {  	[hbm4b:s2+s3] =	stream.indirect_vreg.scatter [tilespmem:s11], [sflag:$0x1], $0x80, v3, vm0, $0xb8;
	[tilespmem:$0x10080] =	vst v63  }
0x46: {  	_ = 	snop  }
0x47: {  	[hbm4b:s4+s3] =	stream.indirect_vreg.scatter [tilespmem:s12], [sflag:$0x1], $0x80, v3, vm0, $0xb8;
	[tilespmem:$0x10080] =	vst v63  }
0x48: {  	_ = 	snop  }
0x49: {  	[hbm4b:s5+s3] =	stream.indirect_vreg.scatter [tilespmem:s13], [sflag:$0x1], $0x80, v3, vm0, $0xb8;
	[tilespmem:$0x10080] =	vst v63  }
0x4a: {  	_ = 	snop  }
0x4b: {  	[hbm4b:s6+s3] =	stream.indirect_vreg.scatter [tilespmem:s14], [sflag:$0x1], $0x80, v3, vm0, $0xb8;
	[tilespmem:$0x10080] =	vst v63  }
0x4c: {  	v3 =	vld [tilespmem:$0x20];
	_ =	sdelay $0x4  }
0x4d: {  	v62 =	vshll.u32 v3, $0x3  }
0x4e: {  	v3 =	vand.u32 $0x7, v3;
	v4 =	vand.u32 $0xFFFFFFC0, v62  }
0x4f: {  	v3 =	vor.u32 v3, v4  }
0x50: {  	v4 =	vperm.xlane v3, v0;
	_ =	sdelay $0x1  }
0x51: {  	v4 =	vadd.s32 v1, v4;
	_ =	sdelay $0x4  }
0x52: {  	[hbm4b:s2+s3] =	stream.indirect_vreg.scatter [tilespmem:s15], [sflag:$0x1], $0x80, v4, vm0, $0xb8;
	[tilespmem:$0x10080] =	vst v63  }
0x53: {  	v3 =	vperm.xlane v3, v2  }
0x54: {  	[hbm4b:s4+s3] =	stream.indirect_vreg.scatter [tilespmem:s16], [sflag:$0x1], $0x80, v4, vm0, $0xb8;
	[tilespmem:$0x10080] =	vst v63  }
0x55: {  	v3 =	vadd.s32 v1, v3  }
0x56: {  	[hbm4b:s5+s3] =	stream.indirect_vreg.scatter [tilespmem:s17], [sflag:$0x1], $0x80, v4, vm0, $0xb8;
	[tilespmem:$0x10080] =	vst v63  }
0x57: {  	_ = 	snop  }
0x58: {  	[hbm4b:s6+s3] =	stream.indirect_vreg.scatter [tilespmem:s18], [sflag:$0x1], $0x80, v4, vm0, $0xb8;
	[tilespmem:$0x10080] =	vst v63  }
0x59: {  	_ = 	snop  }
0x5a: {  	[hbm4b:s2+s3] =	stream.indirect_vreg.scatter [tilespmem:s19], [sflag:$0x1], $0x80, v3, vm0, $0xb8;
	[tilespmem:$0x10080] =	vst v63  }
0x5b: {  	_ = 	snop  }
0x5c: {  	[hbm4b:s4+s3] =	stream.indirect_vreg.scatter [tilespmem:s20], [sflag:$0x1], $0x80, v3, vm0, $0xb8;
	[tilespmem:$0x10080] =	vst v63  }
0x5d: {  	_ = 	snop  }
0x5e: {  	[hbm4b:s5+s3] =	stream.indirect_vreg.scatter [tilespmem:s21], [sflag:$0x1], $0x80, v3, vm0, $0xb8;
	[tilespmem:$0x10080] =	vst v63  }
0x5f: {  	_ = 	snop  }
0x60: {  	[hbm4b:s6+s3] =	stream.indirect_vreg.scatter [tilespmem:s22], [sflag:$0x1], $0x80, v3, vm0, $0xb8;
	[tilespmem:$0x10080] =	vst v63  }
0x61: {  	v3 =	vld [tilespmem:$0x30];
	_ =	sdelay $0x4  }
0x62: {  	v63 =	vshll.u32 v3, $0x3  }
0x63: {  	v3 =	vand.u32 $0x7, v3;
	v4 =	vand.u32 $0xFFFFFFC0, v63  }
0x64: {  	v3 =	vor.u32 v3, v4  }
0x65: {  	v4 =	vperm.xlane v3, v0;
	_ =	sdelay $0x1  }
0x66: {  	v4 =	vadd.s32 v1, v4;
	_ =	sdelay $0x4  }
0x67: {  	[hbm4b:s2+s3] =	stream.indirect_vreg.scatter [tilespmem:s23], [sflag:$0x1], $0x80, v4, vm0, $0xb8;
	[tilespmem:$0x10080] =	vst v63  }
0x68: {  	v3 =	vperm.xlane v3, v2  }
0x69: {  	[hbm4b:s4+s3] =	stream.indirect_vreg.scatter [tilespmem:s24], [sflag:$0x1], $0x80, v4, vm0, $0xb8;
	[tilespmem:$0x10080] =	vst v63  }
0x6a: {  	v3 =	vadd.s32 v1, v3  }
0x6b: {  	[hbm4b:s5+s3] =	stream.indirect_vreg.scatter [tilespmem:s25], [sflag:$0x1], $0x80, v4, vm0, $0xb8;
	[tilespmem:$0x10080] =	vst v63  }
0x6c: {  	_ = 	snop  }
0x6d: {  	[hbm4b:s6+s3] =	stream.indirect_vreg.scatter [tilespmem:s26], [sflag:$0x1], $0x80, v4, vm0, $0xb8;
	[tilespmem:$0x10080] =	vst v63  }
0x6e: {  	_ = 	snop  }
0x6f: {  	[hbm4b:s2+s3] =	stream.indirect_vreg.scatter [tilespmem:s28], [sflag:$0x1], $0x80, v3, vm0, $0xb8;
	[tilespmem:$0x10080] =	vst v63  }
0x70: {  	_ = 	snop  }
0x71: {  	[hbm4b:s4+s3] =	stream.indirect_vreg.scatter [tilespmem:s29], [sflag:$0x1], $0x80, v3, vm0, $0xb8;
	[tilespmem:$0x10080] =	vst v63  }
0x72: {  	p0 =	sne.s32 s7, $0x1  }
0x73: {  	[hbm4b:s5+s3] =	stream.indirect_vreg.scatter [tilespmem:s30], [sflag:$0x1], $0x80, v3, vm0, $0xb8;
	[tilespmem:$0x10080] =	vst v63  }
.Ltmp0:
0x74: {  	_ = 	snop;
	(pc) =	sbr.rel @p0 .LBB2_1-.Ltmp0, $4  }
0x75: {  	[hbm4b:s6+s3] =	stream.indirect_vreg.scatter [tilespmem:s31], [sflag:$0x1], $0x80, v3, vm0, $0xb8;
	[tilespmem:$0x10080] =	vst v63  }
0x76: {  	_ =	swait.ge [sflag:s1], $0x10000  }
0x77: {  	[sflag:s1] =	ssyncset.done $0x0  }
0x78: {  	s7 =	sadd.s32 $0xFFFFFFFF, s7;
	[sflag:s1] =	ssyncadd.s32 $0xFFFF0000  }
0x79: {  	_ =	sfence.sel $0x180000  }
0x7a: {  	[bflag:$0x0] =	sbarrier.arrive $0xFFFF  }
0x7b: {  	_ =	strace $0x90000047  }
0x7c: {  	s0 =	stileid.u32;
	[bflag:$0x2] =	sbarrier.arrive $0xFFFF  }
0x7d: {  	p0 =	sne.s32 s0, $0x0;
	s0 =	rddreg [dreg:$0x3]  }
0x7e: {  	s0 =	sadd.s32 @!p0 $0x100000, s0  }
0x7f: {  	[sflag:s0] =	ssyncadd.tile.s32 @!p0 $0x1;
	_ =	shalt  }
.Lfunc_end2:
_tile_overlayer_lowered:
.L_overlay_start_2:
0x80: {  	(tag) =	ssettag $0x2  }
0x81: {  	s0 =	rddreg [dreg:$0x0];
	s2 =	stileid.u32  }
0x82: {  	s1 =	rddreg [dreg:$0x1];
	p0 =	sne.s32 s2, $0x0  }
0x83: {  	s3 =	rddreg [dreg:$0x2];
	[bflag:$0x3] =	sbarrier.arrive $0xFFFF;
	s2 =	simm.s32 @!p0 $0x1C02  }
0x84: {  	[timem:s3], [sflag:s2] =	dma.local @!p0 [hbm:s0], s1  }
0x85: {  	s0 =	simm.s32 @!p0 $0x2  }
0x86: {  	_ =	swait.ge @!p0 [sflag:s0], s1  }
0x87: {  	s1 =	ssub.s32 @!p0 $0x0, s1;
	[sflag:s0] =	ssyncset.done @!p0 $0x0  }
0x88: {  	[sflag:s0] =	ssyncadd.s32 @!p0 s1  }
0x89: {  	[bflag:$0x3] =	sbarrier.arrive $0xFFFF  }
0x8a: {  	_ =	shalt  }

// kernel: kernel.8.cloned.1.call-start
scs
__scs_entry_jumppad:
0x0: {  	(pc) =	sbr.rel $0x88, $3  }
0x1: {  	(tag) =	ssettag $0x0;
	lr =	simm.s32 $0x1  }
0x2: {  	[smem:$0x3F9E] =	sst lr;
	_ =	strace $0xD0000000  }
0x3: {  	_ = 	snop  }
0x4: {  	_ = 	snop  }
0x5: {  	_ = 	snop  }
0x6: {  	_ = 	snop  }
0x7: {  	_ = 	snop  }
__scs_overlays_trampoline_lowered:
0x8: {  	[smem:$0x3FAD] =	sst s0  }
0x9: {  	[smem:$0x3FAE] =	sst s1  }
0xa: {  	[smem:$0x3FAF] =	sst s2  }
0xb: {  	[smem:$0x3FB0] =	sst s3  }
0xc: {  	[smem:$0x3FB1] =	sst s4  }
0xd: {  	[smem:$0x3FB2] =	sst s5  }
0xe: {  	[smem:$0x3FB3] =	sst s6  }
0xf: {  	[smem:$0x3FB4] =	sst s7  }
0x10: {  	[smem:$0x3FB5] =	sst s8  }
0x11: {  	[smem:$0x3FB6] =	sst s9;
	s0 =	simm.s32 @!p0 $0x0  }
0x12: {  	s1 =	sld [smem:$0x3F9C];
	s0 =	simm.s32 @p0 $0x1  }
0x13: {  	[smem:$0x3FB7] =	sst s0;
	s0 =	simm.s32 @!p1 $0x0  }
0x14: {  	s2 =	sld [smem:$0x3F9B];
	s0 =	simm.s32 @p1 $0x1  }
0x15: {  	[smem:$0x3FB8] =	sst s0;
	s0 =	simm.s32 @!p2 $0x0  }
0x16: {  	s3 =	sld [smem:$0x3FDB];
	s0 =	simm.s32 @p2 $0x1  }
0x17: {  	s4 =	simm.s32 $0x1BF5;
	[smem:$0x3FBA] =	sst s0  }
0x18: {  	s0 =	sld [smem:$0x3F9D];
	_ =	swait.ge [sflag:s4], $0x0  }
0x19: {  	s7 =	sld [smem:$0x3F9E]  }
0x1a: {  	s8 =	sadd.s32 $0xFFFFE003, lr  }
0x1b: {  	s9 =	sadd.s32 $0xFFFFFEF7, lr;
	s5 =	simm.s32 $0xFFFFFFFF;
	p2 =	slt.u32 s8, $0xFFFFF086  }
0x1c: {  	p1 =	slt.u32 s9, $0xF7A;
	s5 =	simm.s32 @!p2 $0x0  }
0x1d: {  	s5 =	simm.s32 @p1 $0x1;
	p0 =	seq.s32 s7, s2  }
0x1e: {  	s7 =	smul.u32 @!p0 $0xF7A, s2;
	p2 =	seq.s32 @!p0 s5, $0x0  }
0x1f: {  	s9 =	smul.u32 $0xF7A, s1;
	s8 =	simm.s32 @!p0 $0x1BF5;
	p2 =	por !p2, p0  }
0x20: {  	[sflag:s8] =	ssyncset.s32 @!p0 $0xFFFFF086;
	s6 =	sadd.s32 @!p0 s3, s7;
	s7 =	simm.s32 @!p0 $0x108  }
0x21: {  	s3 =	sadd.s32 s3, s9;
	s6 =	sadd.s32 @!p0 $0x88, s6;
	s7 =	simm.s32 @p2 $0x1082  }
0x22: {  	[simem:s7], [sflag:s8] =	dma.local @!p0 [hbm:s6], $0xF7A  }
0x23: {  	s9 =	sor.u32 $0xD0000000, s2;
	s6 =	simm.s32 $0x108;
	_ =	swait.ge @!p0 [sflag:s8], $0x0  }
0x24: {  	s3 =	sadd.s32 $0x88, s3;
	s6 =	simm.s32 @!p1 $0x1082;
	[sflag:s4] =	ssyncset.s32 $0xFFFFF086  }
0x25: {  	[simem:s6], [sflag:s4] =	dma.local [hbm:s3], $0xF7A  }
0x26: {  	[smem:$0x3F9E] =	sst s1;
	(tag) =	ssettag s2;
	_ =	strace s9  }
0x27: {  	s1 =	sld [smem:$0x3FAE]  }
0x28: {  	s2 =	sld [smem:$0x3FAF]  }
0x29: {  	s4 =	sld [smem:$0x3FB1]  }
0x2a: {  	p0 =	seq.s32 s5, $0x0;
	s5 =	sld [smem:$0x3FB2]  }
0x2b: {  	s6 =	sld [smem:$0x3FB3]  }
0x2c: {  	s7 =	sld [smem:$0x3FB4]  }
0x2d: {  	s3 =	simm.s32 $0x108;
	s8 =	sld [smem:$0x3FB5]  }
0x2e: {  	s3 =	simm.s32 @!p0 $0x1082;
	s9 =	sld [smem:$0x3FB6]  }
0x2f: {  	lr =	sadd.s32 s0, s3;
	s0 =	sld [smem:$0x3FAD]  }
0x30: {  	s3 =	sld [smem:$0x3FB0]  }
0x31: {  	[smem:$0x3FB9] =	sst s10  }
0x32: {  	s10 =	sld [smem:$0x3FB7];
	_ =	sdelay $0x3  }
0x33: {  	p0 =	seq.s32 s10, $0x1;
	s10 =	sld [smem:$0x3FB9];
	_ =	sdelay $0x3  }
0x34: {  	[smem:$0x3FB9] =	sst s10  }
0x35: {  	s10 =	sld [smem:$0x3FB8];
	_ =	sdelay $0x3  }
0x36: {  	p1 =	seq.s32 s10, $0x1;
	s10 =	sld [smem:$0x3FB9];
	_ =	sdelay $0x3  }
0x37: {  	[smem:$0x3FB9] =	sst s10  }
0x38: {  	s10 =	sld [smem:$0x3FBA]  }
0x39: {  	_ = 	snop;
	(pc) =	sbr.ind lr, $3  }
0x3a: {  	_ = 	snop  }
0x3b: {  	_ = 	snop  }
0x3c: {  	p2 =	seq.s32 s10, $0x1;
	s10 =	sld [smem:$0x3FB9]  }
0x3d: {  	_ =	shalt  }
0x3e: {  	_ =	shalt  }
0x3f: {  	_ =	shalt  }
0x40: {  	_ =	shalt  }
0x41: {  	_ =	shalt  }
0x42: {  	_ =	shalt  }
0x43: {  	_ =	shalt  }
0x44: {  	_ =	shalt  }
0x45: {  	_ =	shalt  }
0x46: {  	_ =	shalt  }
0x47: {  	_ =	shalt  }
0x48: {  	_ =	shalt  }
0x49: {  	_ =	shalt  }
0x4a: {  	_ =	shalt  }
0x4b: {  	_ =	shalt  }
0x4c: {  	_ =	shalt  }
0x4d: {  	_ =	shalt  }
0x4e: {  	_ =	shalt  }
0x4f: {  	_ =	shalt  }
0x50: {  	_ =	shalt  }
0x51: {  	_ =	shalt  }
0x52: {  	_ =	shalt  }
0x53: {  	_ =	shalt  }
0x54: {  	_ =	shalt  }
0x55: {  	_ =	shalt  }
0x56: {  	_ =	shalt  }
0x57: {  	_ =	shalt  }
0x58: {  	_ =	shalt  }
0x59: {  	_ =	shalt  }
0x5a: {  	_ =	shalt  }
0x5b: {  	_ =	shalt  }
0x5c: {  	_ =	shalt  }
0x5d: {  	_ =	shalt  }
0x5e: {  	_ =	shalt  }
0x5f: {  	_ =	shalt  }
0x60: {  	_ =	shalt  }
0x61: {  	_ =	shalt  }
0x62: {  	_ =	shalt  }
0x63: {  	_ =	shalt  }
0x64: {  	_ =	shalt  }
0x65: {  	_ =	shalt  }
0x66: {  	_ =	shalt  }
0x67: {  	_ =	shalt  }
0x68: {  	_ =	shalt  }
0x69: {  	_ =	shalt  }
0x6a: {  	_ =	shalt  }
0x6b: {  	_ =	shalt  }
0x6c: {  	_ =	shalt  }
0x6d: {  	_ =	shalt  }
0x6e: {  	_ =	shalt  }
0x6f: {  	_ =	shalt  }
0x70: {  	_ =	shalt  }
0x71: {  	_ =	shalt  }
0x72: {  	_ =	shalt  }
0x73: {  	_ =	shalt  }
0x74: {  	_ =	shalt  }
0x75: {  	_ =	shalt  }
0x76: {  	_ =	shalt  }
0x77: {  	_ =	shalt  }
0x78: {  	_ =	shalt  }
0x79: {  	_ =	shalt  }
0x7a: {  	_ =	shalt  }
0x7b: {  	_ =	shalt  }
0x7c: {  	_ =	shalt  }
0x7d: {  	_ =	shalt  }
0x7e: {  	_ =	shalt  }
0x7f: {  	_ =	shalt  }
0x80: {  	_ =	shalt  }
0x81: {  	_ =	shalt  }
0x82: {  	_ =	shalt  }
0x83: {  	_ =	shalt  }
0x84: {  	_ =	shalt  }
0x85: {  	_ =	shalt  }
0x86: {  	_ =	shalt  }
0x87: {  	_ =	shalt  }
.Lfunc_end0:
.L_simem_size_0:
called_computation.1_lowered:
.L_overlay_start_0:
0x88: {  	s2 =	sld [smem:$0x3FD9]  }
0x89: {  	s3 =	sld [smem:$0x3FFE];
	_ =	sdelay $0x1  }
0x8a: {  	s1 =	srdreg.scid  }
0x8b: {  	s0 =	sand.u32 $0x1, s1  }
0x8c: {  	s17 =	sshll.u32 s0, $0xA;
	s2 =	sadd.s32 s3, s2  }
0x8d: {  	s2 =	sadd.s32 s2, s17  }
0x8e: {  	[smem:$0x3FC5] =	sst s2  }
0x8f: {  	_ = 	snop  }
0x90: {  	s2 =	sld [smem:$0x3FD0];
	(tm) =	ssettm $0x1  }
0x91: {  	s18 =	sld [smem:$0x3FFB];
	_ =	sdelay $0x3  }
0x92: {  	_ =	strace s18  }
0x93: {  	s3 =	sld [smem:$0x3FFC];
	_ =	sdelay $0x3  }
0x94: {  	_ =	strace s3  }
0x95: {  	s3 =	sld [smem:$0x3FFD];
	_ =	sdelay $0x3  }
0x96: {  	_ =	strace s3  }
0x97: {  	_ =	strace $0x8FFFFFFF  }
0x98: {  	s19 =	sld [smem:$0x3FDB];
	_ =	sdelay $0x1  }
0x99: {  	s4 =	simm.s32 $_scs_section_size  }
0x9a: {  	s5 =	simm.s32 $_size__tile_overlayer_lowered;
	s6 =	simm.s32 $_tile_overlayer_lowered  }
0x9b: {  	s22 =	simm.s32 $0x1BFF;
	s21 =	sshll.u32 s6, $0x1;
	s3 =	sadd.s32 s4, s19  }
0x9c: {  	s7 =	simm.s32 $0x0;
	s20 =	sshll.u32 s5, $0x1;
	s5 =	sadd.s32 s21, s3  }
0x9d: {  	[timem:s7], [sflag:s22] =	dma.local [hbm:s5], s20  }
0x9e: {  	_ =	swait.ge [sflag:s22], s20  }
0x9f: {  	s4 =	ssub.s32 $0x0, s20;
	[sflag:s22] =	ssyncset.done $0x0  }
0xa0: {  	[sflag:s22] =	ssyncadd.s32 s4;
	_ =	sdelay $0x1  }
0xa1: {  	s23 =	simm.s32 $0x1B8B  }
0xa2: {  	_ =	swait.ge [sflag:s23], $0x1  }
0xa3: {  	[sflag:s23] =	ssyncset.done $0x0  }
0xa4: {  	s25 =	simm.s32 $0x1B8E;
	s24 =	sld [smem:$0x3FFE];
	[sflag:s23] =	ssyncadd.s32 $0xFFFFFFFF  }
0xa5: {  	s26 =	simm.s32 $execute0_lowered;
	[smem:$0x3FD2] =	sst s25  }
0xa6: {  	s5 =	sshll.u32 s26, $0x1;
	_ =	strace $0x80000049;
	[dreg:$0x1] =	wrdreg $0xFFFFFFFF  }
0xa7: {  	s28 =	simm.s32 $_size_execute0_lowered;
	s3 =	sadd.s32 s3, s5;
	[dreg:$0x0] =	wrdreg $0x0  }
0xa8: {  	s5 =	sshll.u32 s28, $0x1;
	[dreg:$0x2] =	wrdreg s3  }
0xa9: {  	[dreg:$0x3] =	wrdreg s5  }
0xaa: {  	[dreg:$0x4] =	wrdreg $0xC0  }
0xab: {  	_ =	task [dreg:s7], $0x5FFFF  }
0xac: {  	[dreg:$0x1] =	wrdreg $0xFFFFFFFF  }
0xad: {  	[dreg:$0x0] =	wrdreg $0x60  }
0xae: {  	[dreg:$0x2] =	wrdreg s24  }
0xaf: {  	[dreg:$0x3] =	wrdreg s2  }
0xb0: {  	[dreg:$0x4] =	wrdreg $0x9  }
0xb1: {  	_ =	task.clear_ibuf [dreg:s7], $0x5FFFF;
	_ =	strace $0x90000049  }
0xb2: {  	s29 =	simm.s32 $0x9;
	_ =	strace $0x8000004B  }
0xb3: {  	_ =	swait.ge [sflag:s29], $0x1  }
0xb4: {  	[sflag:s29] =	ssyncadd.s32 $0xFFFFFFFF  }
0xb5: {  	_ =	strace $0x9000004B  }
0xb6: {  	_ =	sfence  }
0xb7: {  	s30 =	sld [smem:$0x0];
	_ =	sdelay $0x2  }
0xb8: {  	s31 =	sshll.u32 s1, $0xD;
	s1 =	sshrl.u32 s1, $0x2  }
0xb9: {  	s3 =	sand.u32 $0x4000, s31;
	s1 =	sadd.s32 s1, s30  }
0xba: {  	s0 =	sor.u32 s3, s0;
	s1 =	sshll.u32 s1, $0x11  }
0xbb: {  	s0 =	sor.u32 s1, s0  }
0xbc: {  	s0 =	sadd.s32 $0x8F2B, s0  }
0xbd: {  	[sflag:s0] =	ssyncadd.remote.s32 $0x1  }
0xbe: {  	_ =	sfence.sel $0xFFFF  }
0xbf: {  	[dreg:$0x0] =	wrdreg $0xFFFFFFFF;
	(pc) =	sbr.abs _section_cstart, $3  }
0xc0: {  	[dreg:$0x1] =	wrdreg $0xFFFFFFFF  }
0xc1: {  	_ =	task.clear_ibuf [dreg:s7], $0x2FFFF;
	_ =	strace $0x9FFFFFFF  }
0xc2: {  	(tm) =	ssettm $0x7FFFFFFF  }
0xc3: {  	_ =	shalt  }
tec
execute0_lowered:
.L_overlay_start_1:
0x0: {  	(tag) =	ssettag $0x1  }
0x1: {  	s1 =	srdreg.scid;
	s6 =	rddreg [dreg:$0x0]  }
0x2: {  	s0 =	stileid.u32;
	s3 =	rddreg [dreg:$0x1];
	s2 =	simm.s32 $0x0  }
0x3: {  	s18 =	simm.s32 $0x880;
	s19 =	simm.s32 $0x1080;
	s20 =	simm.s32 $0x1880  }
0x4: {  	s22 =	simm.s32 $0x2080;
	s23 =	simm.s32 $0x2880;
	s7 =	simm.s32 $0x3080  }
0x5: {  	s24 =	simm.s32 $0x3880;
	s8 =	simm.s32 $0x4080;
	[smem:$0x7FF] =	sst s2  }
0x6: {  	s25 =	simm.s32 $0x4880;
	_ =	strace $0x8000004A;
	[dreg:$0x5] =	wrdreg s18  }
0x7: {  	s26 =	simm.s32 $0x5080;
	s9 =	simm.s32 $0x80;
	[dreg:$0x6] =	wrdreg s19  }
0x8: {  	s11 =	simm.s32 $0x6080;
	s12 =	simm.s32 $0x6880;
	[dreg:$0x7] =	wrdreg s20  }
0x9: {  	s13 =	simm.s32 $0x7080;
	s14 =	simm.s32 $0x7880;
	[dreg:$0x8] =	wrdreg s22  }
0xa: {  	s15 =	simm.s32 $0x8080;
	s16 =	simm.s32 $0x8880;
	[dreg:$0x9] =	wrdreg s23  }
0xb: {  	s17 =	simm.s32 $0x9080;
	s28 =	simm.s32 $0xE080;
	[dreg:$0xa] =	wrdreg s7  }
0xc: {  	s29 =	simm.s32 $0xE880;
	s30 =	simm.s32 $0xF080;
	[dreg:$0xb] =	wrdreg s24  }
0xd: {  	s31 =	simm.s32 $0xF880;
	s1 =	sand.u32 $0x1, s1;
	[dreg:$0xc] =	wrdreg s8  }
0xe: {  	s4 =	sshll.u32 s0, $0x7;
	s5 =	sshll.u32 s1, $0x6;
	[dreg:$0xd] =	wrdreg s25  }
0xf: {  	s1 =	ssub.s32 $0x2, s1;
	s8 =	simm.s32 $0x2;
	[dreg:$0xe] =	wrdreg s26  }
0x10: {  	s18 =	simm.s32 $0x9880;
	s19 =	simm.s32 $0xA080;
	s20 =	simm.s32 $0xA880  }
0x11: {  	s22 =	simm.s32 $0xB880;
	s23 =	simm.s32 $0xC080;
	s24 =	simm.s32 $0xC880  }
0x12: {  	s25 =	simm.s32 $0xD080;
	s26 =	simm.s32 $0xD880;
	s4 =	sor.u32 s5, s4  }
0x13: {  	s21 =	sshrl.u32 s1, $0x1;
	s5 =	sshrl.u32 s4, $0x3;
	s4 =	sshll.u32 s4, $0x7  }
0x14: {  	s1 =	ssub.s32 s1, s21;
	s21 =	simm.s32 $0xB080;
	s5 =	sadd.s32 s6, s5  }
0x15: {  	v2 =	vlaneseq.u32;
	s3 =	sadd.s32 s3, s4;
	s4 =	sadd.s32 $0x300, s6;
	[dreg:$0x3] =	wrdreg s5  }
0x16: {  	vm0 =	vmmov $0xffff;
	v1 =	vshrl.u32 v2, $0x3;
	s7 =	smax.u32 s1, $0x1;
	s1 =	simm.s32 $0x1;
	[dreg:$0x4] =	wrdreg s3  }
0x17: {  	v0 =	vand.u32 $0x7, v2;
	v2 =	vor.u32 $0x8, v2;
	v1 =	vmul.u32 $0x8, v1;
	s3 =	sadd.s32 $0x200, s6;
	s5 =	sadd.s32 $0x400, s6;
	s6 =	sadd.s32 $0x500, s6  }
.LBB2_1:
0x18: {  	s0 =	rddreg [dreg:$0x3]  }
0x19: {  	[tilespmem:s2], [sflag:$0x2] =	stream.linear.gather [hbm4b:s0+s2], $0x40, $0x38;
	[tilespmem:$0x10080] =	vst v63  }
0x1a: {  	_ =	swait.ge [sflag:s8], $0x40  }
0x1b: {  	[sflag:s8] =	ssyncset.done $0x0  }
0x1c: {  	[sflag:s8] =	ssyncadd.s32 $0xFFFFFFC0  }
0x1d: {  	v3 =	vld [tilespmem:$0x0];
	_ =	sdelay $0x4  }
0x1e: {  	v4 =	vshll.u32 v3, $0x3  }
0x1f: {  	v3 =	vand.u32 $0x7, v3;
	v4 =	vand.u32 $0xFFFFFFC0, v4  }
0x20: {  	v3 =	vor.u32 v3, v4  }
0x21: {  	v4 =	vperm.xlane v3, v0;
	_ =	sdelay $0x1  }
0x22: {  	v4 =	vadd.s32 v1, v4;
	_ =	sdelay $0x4  }
0x23: {  	[tilespmem:s9], [sflag:$0x1] =	stream.indirect_vreg.gather [hbm4b:s3+s2], $0x80, v4, vm0, $0xb8;
	[tilespmem:$0x10080] =	vst v63  }
0x24: {  	s0 =	rddreg [dreg:$0x5];
	v3 =	vperm.xlane v3, v2  }
0x25: {  	[tilespmem:s0], [sflag:$0x1] =	stream.indirect_vreg.gather [hbm4b:s4+s2], $0x80, v4, vm0, $0xb8;
	[tilespmem:$0x10080] =	vst v63  }
0x26: {  	s10 =	rddreg [dreg:$0x6];
	v3 =	vadd.s32 v1, v3  }
0x27: {  	[tilespmem:s10], [sflag:$0x1] =	stream.indirect_vreg.gather [hbm4b:s5+s2], $0x80, v4, vm0, $0xb8;
	[tilespmem:$0x10080] =	vst v63  }
0x28: {  	s0 =	rddreg [dreg:$0x7]  }
0x29: {  	[tilespmem:s0], [sflag:$0x1] =	stream.indirect_vreg.gather [hbm4b:s6+s2], $0x80, v4, vm0, $0xb8;
	[tilespmem:$0x10080] =	vst v63  }
0x2a: {  	s10 =	rddreg [dreg:$0x8]  }
0x2b: {  	[tilespmem:s10], [sflag:$0x1] =	stream.indirect_vreg.gather [hbm4b:s3+s2], $0x80, v3, vm0, $0xb8;
	[tilespmem:$0x10080] =	vst v63  }
0x2c: {  	s0 =	rddreg [dreg:$0x9]  }
0x2d: {  	[tilespmem:s0], [sflag:$0x1] =	stream.indirect_vreg.gather [hbm4b:s4+s2], $0x80, v3, vm0, $0xb8;
	[tilespmem:$0x10080] =	vst v63  }
0x2e: {  	s10 =	rddreg [dreg:$0xa]  }
0x2f: {  	[tilespmem:s10], [sflag:$0x1] =	stream.indirect_vreg.gather [hbm4b:s5+s2], $0x80, v3, vm0, $0xb8;
	[tilespmem:$0x10080] =	vst v63  }
0x30: {  	s0 =	rddreg [dreg:$0xb]  }
0x31: {  	[tilespmem:s0], [sflag:$0x1] =	stream.indirect_vreg.gather [hbm4b:s6+s2], $0x80, v3, vm0, $0xb8;
	[tilespmem:$0x10080] =	vst v63  }
0x32: {  	v3 =	vld [tilespmem:$0x10];
	_ =	sdelay $0x4  }
0x33: {  	v61 =	vshll.u32 v3, $0x3  }
0x34: {  	v3 =	vand.u32 $0x7, v3;
	v4 =	vand.u32 $0xFFFFFFC0, v61  }
0x35: {  	v3 =	vor.u32 v3, v4  }
0x36: {  	v4 =	vperm.xlane v3, v0;
	_ =	sdelay $0x1  }
0x37: {  	v4 =	vadd.s32 v1, v4;
	_ =	sdelay $0x3  }
0x38: {  	s0 =	rddreg [dreg:$0xc]  }
0x39: {  	[tilespmem:s0], [sflag:$0x1] =	stream.indirect_vreg.gather [hbm4b:s3+s2], $0x80, v4, vm0, $0xb8;
	[tilespmem:$0x10080] =	vst v63  }
0x3a: {  	s10 =	rddreg [dreg:$0xd];
	v3 =	vperm.xlane v3, v2  }
0x3b: {  	[tilespmem:s10], [sflag:$0x1] =	stream.indirect_vreg.gather [hbm4b:s4+s2], $0x80, v4, vm0, $0xb8;
	[tilespmem:$0x10080] =	vst v63  }
0x3c: {  	v3 =	vadd.s32 v1, v3;
	s0 =	rddreg [dreg:$0xe]  }
0x3d: {  	[tilespmem:s0], [sflag:$0x1] =	stream.indirect_vreg.gather [hbm4b:s5+s2], $0x80, v4, vm0, $0xb8;
	[tilespmem:$0x10080] =	vst v63  }
0x3e: {  	s10 =	simm.s32 $0x5880  }
0x3f: {  	[tilespmem:s10], [sflag:$0x1] =	stream.indirect_vreg.gather [hbm4b:s6+s2], $0x80, v4, vm0, $0xb8;
	[tilespmem:$0x10080] =	vst v63  }
0x40: {  	_ = 	snop  }
0x41: {  	[tilespmem:s11], [sflag:$0x1] =	stream.indirect_vreg.gather [hbm4b:s3+s2], $0x80, v3, vm0, $0xb8;
	[tilespmem:$0x10080] =	vst v63  }
0x42: {  	_ = 	snop  }
0x43: {  	[tilespmem:s12], [sflag:$0x1] =	stream.indirect_vreg.gather [hbm4b:s4+s2], $0x80, v3, vm0, $0xb8;
	[tilespmem:$0x10080] =	vst v63  }
0x44: {  	_ = 	snop  }
0x45: {  	[tilespmem:s13], [sflag:$0x1] =	stream.indirect_vreg.gather [hbm4b:s5+s2], $0x80, v3, vm0, $0xb8;
	[tilespmem:$0x10080] =	vst v63  }
0x46: {  	_ = 	snop  }
0x47: {  	[tilespmem:s14], [sflag:$0x1] =	stream.indirect_vreg.gather [hbm4b:s6+s2], $0x80, v3, vm0, $0xb8;
	[tilespmem:$0x10080] =	vst v63  }
0x48: {  	v3 =	vld [tilespmem:$0x20];
	_ =	sdelay $0x4  }
0x49: {  	v62 =	vshll.u32 v3, $0x3  }
0x4a: {  	v3 =	vand.u32 $0x7, v3;
	v4 =	vand.u32 $0xFFFFFFC0, v62  }
0x4b: {  	v3 =	vor.u32 v3, v4  }
0x4c: {  	v4 =	vperm.xlane v3, v0;
	_ =	sdelay $0x1  }
0x4d: {  	v4 =	vadd.s32 v1, v4;
	_ =	sdelay $0x4  }
0x4e: {  	[tilespmem:s15], [sflag:$0x1] =	stream.indirect_vreg.gather [hbm4b:s3+s2], $0x80, v4, vm0, $0xb8;
	[tilespmem:$0x10080] =	vst v63  }
0x4f: {  	v3 =	vperm.xlane v3, v2  }
0x50: {  	[tilespmem:s16], [sflag:$0x1] =	stream.indirect_vreg.gather [hbm4b:s4+s2], $0x80, v4, vm0, $0xb8;
	[tilespmem:$0x10080] =	vst v63  }
0x51: {  	v3 =	vadd.s32 v1, v3  }
0x52: {  	[tilespmem:s17], [sflag:$0x1] =	stream.indirect_vreg.gather [hbm4b:s5+s2], $0x80, v4, vm0, $0xb8;
	[tilespmem:$0x10080] =	vst v63  }
0x53: {  	_ = 	snop  }
0x54: {  	[tilespmem:s18], [sflag:$0x1] =	stream.indirect_vreg.gather [hbm4b:s6+s2], $0x80, v4, vm0, $0xb8;
	[tilespmem:$0x10080] =	vst v63  }
0x55: {  	_ = 	snop  }
0x56: {  	[tilespmem:s19], [sflag:$0x1] =	stream.indirect_vreg.gather [hbm4b:s3+s2], $0x80, v3, vm0, $0xb8;
	[tilespmem:$0x10080] =	vst v63  }
0x57: {  	_ = 	snop  }
0x58: {  	[tilespmem:s20], [sflag:$0x1] =	stream.indirect_vreg.gather [hbm4b:s4+s2], $0x80, v3, vm0, $0xb8;
	[tilespmem:$0x10080] =	vst v63  }
0x59: {  	_ = 	snop  }
0x5a: {  	[tilespmem:s21], [sflag:$0x1] =	stream.indirect_vreg.gather [hbm4b:s5+s2], $0x80, v3, vm0, $0xb8;
	[tilespmem:$0x10080] =	vst v63  }
0x5b: {  	_ = 	snop  }
0x5c: {  	[tilespmem:s22], [sflag:$0x1] =	stream.indirect_vreg.gather [hbm4b:s6+s2], $0x80, v3, vm0, $0xb8;
	[tilespmem:$0x10080] =	vst v63  }
0x5d: {  	v3 =	vld [tilespmem:$0x30];
	_ =	sdelay $0x4  }
0x5e: {  	v63 =	vshll.u32 v3, $0x3  }
0x5f: {  	v3 =	vand.u32 $0x7, v3;
	v4 =	vand.u32 $0xFFFFFFC0, v63  }
0x60: {  	v3 =	vor.u32 v3, v4  }
0x61: {  	v4 =	vperm.xlane v3, v0;
	_ =	sdelay $0x1  }
0x62: {  	v4 =	vadd.s32 v1, v4;
	_ =	sdelay $0x4  }
0x63: {  	[tilespmem:s23], [sflag:$0x1] =	stream.indirect_vreg.gather [hbm4b:s3+s2], $0x80, v4, vm0, $0xb8;
	[tilespmem:$0x10080] =	vst v63  }
0x64: {  	v3 =	vperm.xlane v3, v2  }
0x65: {  	[tilespmem:s24], [sflag:$0x1] =	stream.indirect_vreg.gather [hbm4b:s4+s2], $0x80, v4, vm0, $0xb8;
	[tilespmem:$0x10080] =	vst v63  }
0x66: {  	v3 =	vadd.s32 v1, v3  }
0x67: {  	[tilespmem:s25], [sflag:$0x1] =	stream.indirect_vreg.gather [hbm4b:s5+s2], $0x80, v4, vm0, $0xb8;
	[tilespmem:$0x10080] =	vst v63  }
0x68: {  	_ = 	snop  }
0x69: {  	[tilespmem:s26], [sflag:$0x1] =	stream.indirect_vreg.gather [hbm4b:s6+s2], $0x80, v4, vm0, $0xb8;
	[tilespmem:$0x10080] =	vst v63  }
0x6a: {  	_ = 	snop  }
0x6b: {  	[tilespmem:s28], [sflag:$0x1] =	stream.indirect_vreg.gather [hbm4b:s3+s2], $0x80, v3, vm0, $0xb8;
	[tilespmem:$0x10080] =	vst v63  }
0x6c: {  	_ = 	snop  }
0x6d: {  	[tilespmem:s29], [sflag:$0x1] =	stream.indirect_vreg.gather [hbm4b:s4+s2], $0x80, v3, vm0, $0xb8;
	[tilespmem:$0x10080] =	vst v63  }
0x6e: {  	_ = 	snop  }
0x6f: {  	[tilespmem:s30], [sflag:$0x1] =	stream.indirect_vreg.gather [hbm4b:s5+s2], $0x80, v3, vm0, $0xb8;
	[tilespmem:$0x10080] =	vst v63  }
0x70: {  	_ = 	snop  }
0x71: {  	[tilespmem:s31], [sflag:$0x1] =	stream.indirect_vreg.gather [hbm4b:s6+s2], $0x80, v3, vm0, $0xb8;
	[tilespmem:$0x10080] =	vst v63  }
0x72: {  	_ =	swait.ge [sflag:s1], $0x10000  }
0x73: {  	p0 =	sne.s32 s7, $0x1;
	[sflag:s1] =	ssyncset.done $0x0  }
.Ltmp0:
0x74: {  	s10 =	rddreg [dreg:$0x4];
	[sflag:s1] =	ssyncadd.s32 $0xFFFF0000;
	(pc) =	sbr.rel @p0 .LBB2_1-.Ltmp0, $4  }
0x75: {  	[hbm4b:s10+s2] =	stream.linear.scatter [tilespmem:s9], [sflag:$0x2], $0x10000, $0x38;
	[tilespmem:$0x10080] =	vst v63  }
0x76: {  	_ =	swait.ge [sflag:s8], $0x10000  }
0x77: {  	[sflag:s8] =	ssyncset.done $0x0  }
0x78: {  	s7 =	sadd.s32 $0xFFFFFFFF, s7;
	[sflag:s8] =	ssyncadd.s32 $0xFFFF0000  }
0x79: {  	_ =	sfence.sel $0x180000  }
0x7a: {  	[bflag:$0x0] =	sbarrier.arrive $0xFFFF  }
0x7b: {  	_ =	strace $0x9000004A  }
0x7c: {  	s0 =	stileid.u32;
	[bflag:$0x2] =	sbarrier.arrive $0xFFFF  }
0x7d: {  	p0 =	sne.s32 s0, $0x0;
	s0 =	rddreg [dreg:$0x2]  }
0x7e: {  	s0 =	sadd.s32 @!p0 $0x100000, s0  }
0x7f: {  	[sflag:s0] =	ssyncadd.tile.s32 @!p0 $0x1;
	_ =	shalt  }
.Lfunc_end2:
_tile_overlayer_lowered:
.L_overlay_start_2:
0x80: {  	(tag) =	ssettag $0x2  }
0x81: {  	s0 =	rddreg [dreg:$0x0];
	s2 =	stileid.u32  }
0x82: {  	s1 =	rddreg [dreg:$0x1];
	p0 =	sne.s32 s2, $0x0  }
0x83: {  	s3 =	rddreg [dreg:$0x2];
	[bflag:$0x3] =	sbarrier.arrive $0xFFFF;
	s2 =	simm.s32 @!p0 $0x1C02  }
0x84: {  	[timem:s3], [sflag:s2] =	dma.local @!p0 [hbm:s0], s1  }
0x85: {  	s0 =	simm.s32 @!p0 $0x2  }
0x86: {  	_ =	swait.ge @!p0 [sflag:s0], s1  }
0x87: {  	s1 =	ssub.s32 @!p0 $0x0, s1;
	[sflag:s0] =	ssyncset.done @!p0 $0x0  }
0x88: {  	[sflag:s0] =	ssyncadd.s32 @!p0 s1  }
0x89: {  	[bflag:$0x3] =	sbarrier.arrive $0xFFFF  }
0x8a: {  	_ =	shalt  }

</sc_bundles>
